<compile_context>
chip_gen: v7x
topology: tpu7x:2x2x1
jax: 0.10.2.dev20260603
libtpu: 0.0.44.dev20260713+nightly
codegen_flags: <defaults>
</compile_context>

<pallas_src>
import functools

import jax
import jax.numpy as jnp
from jax import lax
from jax.experimental import pallas as pl
from jax.experimental.pallas import tpu as pltpu
from jax.experimental.pallas import tpu_sc as plsc

_Q = 1024
_D = 64
_KB = 5000


def _argmin_body(q2_ref, qsq_ref, a_ref, colf_ref, idx_out_ref, t128_ref,
                 best_d_ref, best_i_ref):
    i = pl.program_id(0)
    q2 = q2_ref[...]
    q_sq = qsq_ref[...]
    a = a_ref[...]
    t128_ref[:, 0:_D] = a
    t128_ref[:, _D:2 * _D] = a
    k_sq = jnp.sum(a * a, axis=1)
    dot2 = lax.dot_general(q2, a, (((1,), (1,)), ((), ())),
                           preferred_element_type=jnp.float32)
    d2 = (q_sq - dot2) + k_sq[None, :]
    m2 = jnp.maximum(jnp.min(d2, axis=1, keepdims=True), 0.0)
    bmin = jnp.sqrt(m2)
    thr = m2
    x = m2
    for _ in range(3):
        x = lax.bitcast_convert_type(
            lax.bitcast_convert_type(x, jnp.int32) + 1, jnp.float32)
        thr = jnp.where(jnp.sqrt(x) == bmin, x, thr)
    colf = colf_ref[...]
    bidxf = jnp.min(jnp.where(d2 <= thr, colf, float(_KB)),
                    axis=1, keepdims=True)
    bidxf = bidxf + jnp.float32(i * _KB)

    @pl.when(i == 0)
    def _():
        best_d_ref[...] = bmin
        best_i_ref[...] = bidxf

    @pl.when(i > 0)
    def _():
        upd = bmin < best_d_ref[...]
        best_d_ref[...] = jnp.where(upd, bmin, best_d_ref[...])
        best_i_ref[...] = jnp.where(upd, bidxf, best_i_ref[...])

    @pl.when(i == pl.num_programs(0) - 1)
    def _():
        idx_out_ref[...] = best_i_ref[...].astype(jnp.int32)


def _tc_argmin(pred_action, action_set):
    k = action_set.shape[0]
    q2 = pred_action + pred_action
    q_sq = jnp.sum(pred_action * pred_action, axis=1, keepdims=True)
    colf = jnp.arange(_KB, dtype=jnp.float32).reshape(1, _KB)
    return pl.pallas_call(
        _argmin_body,
        grid=(k // _KB,),
        in_specs=[
            pl.BlockSpec((_Q, _D), lambda i: (0, 0)),
            pl.BlockSpec((_Q, 1), lambda i: (0, 0)),
            pl.BlockSpec((_KB, _D), lambda i: (i, 0)),
            pl.BlockSpec((1, _KB), lambda i: (0, 0)),
        ],
        out_specs=[
            pl.BlockSpec((_Q, 1), lambda i: (0, 0)),
            pl.BlockSpec((_KB, 2 * _D), lambda i: (i, 0)),
        ],
        out_shape=[
            jax.ShapeDtypeStruct((_Q, 1), jnp.int32),
            jax.ShapeDtypeStruct((k, 2 * _D), jnp.float32),
        ],
        scratch_shapes=[
            pltpu.VMEM((_Q, 1), jnp.float32),
            pltpu.VMEM((_Q, 1), jnp.float32),
        ],
        compiler_params=pltpu.CompilerParams(
            vmem_limit_bytes=100 * 1024 * 1024),
    )(q2, q_sq, action_set, colf)


def _sc_gather(table128, idx):
    info = plsc.get_sparse_core_info()
    nw = info.num_cores * info.num_subcores
    bpw = _Q // nw
    nc = info.num_cores
    mesh = plsc.VectorSubcoreMesh(core_axis_name="c", subcore_axis_name="s")

    @functools.partial(
        pl.kernel,
        mesh=mesh,
        out_type=jax.ShapeDtypeStruct((_Q, 128), jnp.float32),
        scratch_types=[
            pltpu.VMEM((bpw,), jnp.int32),
            pltpu.VMEM((bpw, 128), jnp.float32),
            pltpu.SemaphoreType.DMA,
        ],
    )
    def gather(table_hbm, idx_hbm, out_hbm, idx_v, rows_v, sem):
        wid = lax.axis_index("s") * nc + lax.axis_index("c")
        base = wid * bpw
        pltpu.sync_copy(idx_hbm.at[pl.ds(base, bpw)], idx_v)
        pltpu.async_copy(table_hbm.at[idx_v], rows_v, sem).wait()
        pltpu.sync_copy(rows_v, out_hbm.at[pl.ds(base, bpw)])

    return gather(table128, idx)


def kernel(pred_action, action_set):
    idx2, table128 = _tc_argmin(pred_action, action_set)
    return _sc_gather(table128, idx2.reshape(_Q))[:, :_D]

# --- scband reference (transcript-rebuilt; emitter-appended) ---
"""Pipeline reference for scband-continous-action-decoder-77025943487062 (READ-ONLY COPY).

The authoritative reference and input builder live on the scoring server;
editing this copy changes nothing except your own understanding.
"""

import jax, jax.numpy as jnp
import numpy as np


def setup_inputs(seed: int = 0) -> dict:
    key = jax.random.key(seed)
    ka, kb = jax.random.split(key)
    pred_action = jax.random.normal(ka, (1024, 64), dtype=jnp.float32)
    action_set = jax.random.normal(kb, (100000, 64), dtype=jnp.float32)
    return {"pred_action": pred_action, "action_set": action_set}


def reference(pred_action, action_set):
    # torch.cdist(pred_action, action_set) with p=2 (Euclidean)
    q_sq = jnp.sum(pred_action * pred_action, axis=1, keepdims=True)  # [Q, 1]
    k_sq = jnp.sum(action_set * action_set, axis=1)[None, :]          # [1, K]
    d2 = q_sq - 2.0 * (pred_action @ action_set.T) + k_sq             # [Q, K]
    dist = jnp.sqrt(jnp.maximum(d2, 0.0))
    idx = jnp.argmin(dist, axis=1)                                    # [Q]
    # gather closest actions: action_set[idx]
    return jnp.take(action_set, idx, axis=0)

if __name__ == "__main__":
    import jax
    _d = setup_inputs()
    print(jax.jit(kernel)(*tuple(_d.values())))

</pallas_src>

<mosaic_0001>
#map = affine_map<(d0, d1) -> (0, 0)>
#map1 = affine_map<(d0, d1) -> (0)>
module attributes {stable_mosaic.version = 14 : i64} {
  func.func @gather(%arg0: i32, %arg1: i32, %arg2: memref<100000x128xf32, #tpu.memory_space<hbm>>, %arg3: memref<1024xi32, #tpu.memory_space<hbm>>, %arg4: memref<1024x128xf32, #tpu.memory_space<hbm>>, %arg5: memref<32xi32, #tpu.memory_space<vmem>>, %arg6: memref<32x128xf32, #tpu.memory_space<vmem>>, %arg7: memref<!tpu.dma_semaphore, #tpu.memory_space<semaphore_mem>>) attributes {dimension_semantics = [#tpu.dimension_semantics<core_parallel>, #tpu.dimension_semantics<subcore_parallel>], iteration_bounds = array<i64: 2, 16>, scalar_prefetch = 0 : i64, scratch_operands = 3 : i64, tpu.core_type = #tpu.core_type<sc_vector_subcore>, window_params = [{transform_indices = #map}, {transform_indices = #map1}, {transform_indices = #map}]} {
    %mul3A = arith.constant 2 : i32
    %mul3A_0 = arith.muli %arg1, %mul3A : i32
    %add3A = arith.addi %mul3A_0, %arg0 : i32
    %mul3A_1 = arith.constant 32 : i32
    %mul3A_2 = arith.muli %add3A, %mul3A_1 : i32
    "tpu.region"() ({
      %run_scoped3A = tpu.sem_alloc : memref<!tpu.dma_semaphore, #tpu.memory_space<semaphore_mem>>
      %dma_start3A_7 = tpu.memref_slice %arg3[%mul3A_2] : memref<1024xi32, #tpu.memory_space<hbm>> -> memref<32xi32, #tpu.memory_space<hbm>>
      %dma_start3A_8 = tpu.memref_slice %arg3[%mul3A_2] : memref<1024xi32, #tpu.memory_space<hbm>> -> memref<32xi32, #tpu.memory_space<hbm>>
      tpu.enqueue_dma source(%dma_start3A_8 : memref<32xi32, #tpu.memory_space<hbm>>) target(%arg5 : memref<32xi32, #tpu.memory_space<vmem>>) target_semaphore(%run_scoped3A : memref<!tpu.dma_semaphore, #tpu.memory_space<semaphore_mem>>)
      %dma_wait3A_9 = tpu.memref_slice %arg3[%mul3A_2] : memref<1024xi32, #tpu.memory_space<hbm>> -> memref<32xi32, #tpu.memory_space<hbm>>
      %dma_wait3A_10 = tpu.memref_slice %arg3[%mul3A_2] : memref<1024xi32, #tpu.memory_space<hbm>> -> memref<32xi32, #tpu.memory_space<hbm>>
      tpu.wait_dma2 semaphore(%run_scoped3A : memref<!tpu.dma_semaphore, #tpu.memory_space<semaphore_mem>>) src(%dma_wait3A_10 : memref<32xi32, #tpu.memory_space<hbm>>) dst(%arg5 : memref<32xi32, #tpu.memory_space<vmem>>)
      tpu.yield
    }) : () -> ()
    %dma_start3A = arith.constant 0 : i32
    %dma_start3A_3 = arith.constant 0 : i32
    %dma_start3A_4 = tpu.memref_slice %arg2[%dma_start3A, %dma_start3A_3] : memref<100000x128xf32, #tpu.memory_space<hbm>> -> memref<100000x128xf32, #tpu.memory_space<hbm>>
    tpu.enqueue_indirect_dma source(%dma_start3A_4 : memref<100000x128xf32, #tpu.memory_space<hbm>>) target(%arg6 : memref<32x128xf32, #tpu.memory_space<vmem>>) offsets(%arg5 : memref<32xi32, #tpu.memory_space<vmem>>) semaphore(%arg7 : memref<!tpu.dma_semaphore, #tpu.memory_space<semaphore_mem>>)
    %dma_wait3A = arith.constant 0 : i32
    %dma_wait3A_5 = arith.constant 0 : i32
    %dma_wait3A_6 = tpu.memref_slice %arg2[%dma_wait3A, %dma_wait3A_5] : memref<100000x128xf32, #tpu.memory_space<hbm>> -> memref<100000x128xf32, #tpu.memory_space<hbm>>
    tpu.wait_indirect_dma semaphore(%arg7 : memref<!tpu.dma_semaphore, #tpu.memory_space<semaphore_mem>>) src(%dma_wait3A_6 : memref<100000x128xf32, #tpu.memory_space<hbm>>) dst(%arg6 : memref<32x128xf32, #tpu.memory_space<vmem>>)
    "tpu.region"() ({
      %run_scoped3A = tpu.sem_alloc : memref<!tpu.dma_semaphore, #tpu.memory_space<semaphore_mem>>
      %dma_start3A_7 = arith.constant 0 : i32
      %dma_start3A_8 = tpu.memref_slice %arg4[%mul3A_2, %dma_start3A_7] : memref<1024x128xf32, #tpu.memory_space<hbm>> -> memref<32x128xf32, #tpu.memory_space<hbm>>
      %dma_start3A_9 = arith.constant 0 : i32
      %dma_start3A_10 = tpu.memref_slice %arg4[%mul3A_2, %dma_start3A_9] : memref<1024x128xf32, #tpu.memory_space<hbm>> -> memref<32x128xf32, #tpu.memory_space<hbm>>
      tpu.enqueue_dma source(%arg6 : memref<32x128xf32, #tpu.memory_space<vmem>>) target(%dma_start3A_10 : memref<32x128xf32, #tpu.memory_space<hbm>>) target_semaphore(%run_scoped3A : memref<!tpu.dma_semaphore, #tpu.memory_space<semaphore_mem>>)
      %dma_wait3A_11 = arith.constant 0 : i32
      %dma_wait3A_12 = tpu.memref_slice %arg4[%mul3A_2, %dma_wait3A_11] : memref<1024x128xf32, #tpu.memory_space<hbm>> -> memref<32x128xf32, #tpu.memory_space<hbm>>
      %dma_wait3A_13 = arith.constant 0 : i32
      %dma_wait3A_14 = tpu.memref_slice %arg4[%mul3A_2, %dma_wait3A_13] : memref<1024x128xf32, #tpu.memory_space<hbm>> -> memref<32x128xf32, #tpu.memory_space<hbm>>
      tpu.wait_dma2 semaphore(%run_scoped3A : memref<!tpu.dma_semaphore, #tpu.memory_space<semaphore_mem>>) src(%arg6 : memref<32x128xf32, #tpu.memory_space<vmem>>) dst(%dma_wait3A_14 : memref<32x128xf32, #tpu.memory_space<hbm>>)
      tpu.yield
    }) : () -> ()
    return
  }
}

module attributes {stable_mosaic.version = 14 : i64} {
  func.func @_argmin_body(%arg0: i32, %arg1: memref<1024x64xf32, #tpu.memory_space<vmem>>, %arg2: memref<1024x1xf32, #tpu.memory_space<vmem>>, %arg3: memref<5000x64xf32, #tpu.memory_space<vmem>>, %arg4: memref<1x5000xf32, #tpu.memory_space<vmem>>, %arg5: memref<1024x1xi32, #tpu.memory_space<vmem>>, %arg6: memref<5000x128xf32, #tpu.memory_space<vmem>>, %arg7: memref<1024x1xf32, #tpu.memory_space<vmem>>, %arg8: memref<1024x1xf32, #tpu.memory_space<vmem>>) attributes {dimension_semantics = [#tpu.dimension_semantics<arbitrary>], iteration_bounds = array<i64: 20>, scalar_prefetch = 0 : i64, scratch_operands = 2 : i64, tpu.core_type = #tpu.core_type<tc>, window_params = [{pipeline_mode = #tpu.pipeline_mode<synchronous>, transform_indices = @transform_0, window_bounds = array<i64: 1024, 64>}, {pipeline_mode = #tpu.pipeline_mode<synchronous>, transform_indices = @transform_1, window_bounds = array<i64: 1024, 1>}, {transform_indices = @transform_2, window_bounds = array<i64: 5000, 64>}, {pipeline_mode = #tpu.pipeline_mode<synchronous>, transform_indices = @transform_3, window_bounds = array<i64: 1, 5000>}, {pipeline_mode = #tpu.pipeline_mode<synchronous>, transform_indices = @transform_4, window_bounds = array<i64: 1024, 1>}, {transform_indices = @transform_5, window_bounds = array<i64: 5000, 128>}]} {
    %get3A = arith.constant 0 : index
    %get3A_0 = arith.constant 0 : index
    %get3A_1 = vector.load %arg1[%get3A, %get3A_0] : memref<1024x64xf32, #tpu.memory_space<vmem>>, vector<1024x64xf32>
    %get3A_2 = arith.constant 0 : index
    %get3A_3 = arith.constant 0 : index
    %get3A_4 = vector.load %arg2[%get3A_2, %get3A_3] : memref<1024x1xf32, #tpu.memory_space<vmem>>, vector<1024x1xf32>
    %get3A_5 = arith.constant 0 : index
    %get3A_6 = arith.constant 0 : index
    %get3A_7 = vector.load %arg3[%get3A_5, %get3A_6] : memref<5000x64xf32, #tpu.memory_space<vmem>>, vector<5000x64xf32>
    %swap3A = arith.constant 0 : index
    %swap3A_8 = arith.constant 0 : index
    %swap3A_9 = vector.load %arg6[%swap3A, %swap3A_8] : memref<5000x128xf32, #tpu.memory_space<vmem>>, vector<5000x64xf32>
    tpu.vector_store %arg6[%swap3A, %swap3A_8], %get3A_7 {strides = array<i32>} : memref<5000x128xf32, #tpu.memory_space<vmem>>, vector<5000x64xf32>,
    %swap3A_10 = arith.constant 0 : index
    %swap3A_11 = arith.constant 64 : index
    %swap3A_12 = vector.load %arg6[%swap3A_10, %swap3A_11] : memref<5000x128xf32, #tpu.memory_space<vmem>>, vector<5000x64xf32>
    tpu.vector_store %arg6[%swap3A_10, %swap3A_11], %get3A_7 {strides = array<i32>} : memref<5000x128xf32, #tpu.memory_space<vmem>>, vector<5000x64xf32>,
    %mul3A = arith.mulf %get3A_7, %get3A_7 : vector<5000x64xf32>
    %reduce_sum3A = arith.constant dense<0.000000e+00> : vector<5000xf32>
    %reduce_sum3A_13 = vector.multi_reduction <add>, %mul3A, %reduce_sum3A [1] : vector<5000x64xf32> to vector<5000xf32>
    %dot_general3A = arith.constant dense<0.000000e+00> : vector<1024x5000xf32>
    %dot_general3A_14 = tpu.matmul %get3A_1, %get3A_7, %dot_general3A {dimension_numbers = #tpu.dot_dimension_numbers<[1], [1], [0], [0], [0, 0, 1, 0], [], []>, transpose_lhs_hint = false} : vector<1024x64xf32>, vector<5000x64xf32>, vector<1024x5000xf32> -> vector<1024x5000xf32>
    %sub3A = vector.broadcast %get3A_4 : vector<1024x1xf32> to vector<1024x5000xf32>
    %sub3A_15 = arith.subf %sub3A, %dot_general3A_14 : vector<1024x5000xf32>
    %broadcast_in_dim3A = vector.shape_cast %reduce_sum3A_13 : vector<5000xf32> to vector<1x5000xf32>
    %add3A = vector.broadcast %broadcast_in_dim3A : vector<1x5000xf32> to vector<1024x5000xf32>
    %add3A_16 = arith.addf %sub3A_15, %add3A : vector<1024x5000xf32>
    %reduce_min3A = arith.constant dense<0x7F800000> : vector<1024xf32>
    %reduce_min3A_17 = vector.multi_reduction <minimumf>, %add3A_16, %reduce_min3A [1] : vector<1024x5000xf32> to vector<1024xf32>
    %broadcast_in_dim3A_18 = vector.shape_cast %reduce_min3A_17 : vector<1024xf32> to vector<1024x1xf32>
    %max3A = arith.constant 0.000000e+00 : f32
    %max3A_19 = vector.broadcast %max3A : f32 to vector<1024x1xf32>
    %max3A_20 = arith.maximumf %broadcast_in_dim3A_18, %max3A_19 : vector<1024x1xf32>
    %sqrt3A = math.sqrt %max3A_20 : vector<1024x1xf32>
    %bitcast_convert_type3A = tpu.bitcast %max3A_20 : vector<1024x1xf32> -> vector<1024x1xi32>
    %add3A_21 = arith.constant 1 : i32
    %add3A_22 = vector.broadcast %add3A_21 : i32 to vector<1024x1xi32>
    %add3A_23 = arith.addi %bitcast_convert_type3A, %add3A_22 : vector<1024x1xi32>
    %bitcast_convert_type3A_24 = tpu.bitcast %add3A_23 : vector<1024x1xi32> -> vector<1024x1xf32>
    %sqrt3A_25 = math.sqrt %bitcast_convert_type3A_24 : vector<1024x1xf32>
    %eq3A = arith.cmpf oeq, %sqrt3A_25, %sqrt3A : vector<1024x1xf32>
    %select_n3A = arith.select %eq3A, %bitcast_convert_type3A_24, %max3A_20 : vector<1024x1xi1>, vector<1024x1xf32>
    %bitcast_convert_type3A_26 = tpu.bitcast %bitcast_convert_type3A_24 : vector<1024x1xf32> -> vector<1024x1xi32>
    %add3A_27 = arith.constant 1 : i32
    %add3A_28 = vector.broadcast %add3A_27 : i32 to vector<1024x1xi32>
    %add3A_29 = arith.addi %bitcast_convert_type3A_26, %add3A_28 : vector<1024x1xi32>
    %bitcast_convert_type3A_30 = tpu.bitcast %add3A_29 : vector<1024x1xi32> -> vector<1024x1xf32>
    %sqrt3A_31 = math.sqrt %bitcast_convert_type3A_30 : vector<1024x1xf32>
    %eq3A_32 = arith.cmpf oeq, %sqrt3A_31, %sqrt3A : vector<1024x1xf32>
    %select_n3A_33 = arith.select %eq3A_32, %bitcast_convert_type3A_30, %select_n3A : vector<1024x1xi1>, vector<1024x1xf32>
    %bitcast_convert_type3A_34 = tpu.bitcast %bitcast_convert_type3A_30 : vector<1024x1xf32> -> vector<1024x1xi32>
    %add3A_35 = arith.constant 1 : i32
    %add3A_36 = vector.broadcast %add3A_35 : i32 to vector<1024x1xi32>
    %add3A_37 = arith.addi %bitcast_convert_type3A_34, %add3A_36 : vector<1024x1xi32>
    %bitcast_convert_type3A_38 = tpu.bitcast %add3A_37 : vector<1024x1xi32> -> vector<1024x1xf32>
    %sqrt3A_39 = math.sqrt %bitcast_convert_type3A_38 : vector<1024x1xf32>
    %eq3A_40 = arith.cmpf oeq, %sqrt3A_39, %sqrt3A : vector<1024x1xf32>
    %select_n3A_41 = arith.select %eq3A_40, %bitcast_convert_type3A_38, %select_n3A_33 : vector<1024x1xi1>, vector<1024x1xf32>
    %get3A_42 = arith.constant 0 : index
    %get3A_43 = arith.constant 0 : index
    %get3A_44 = vector.load %arg4[%get3A_42, %get3A_43] : memref<1x5000xf32, #tpu.memory_space<vmem>>, vector<1x5000xf32>
    %le3A = vector.broadcast %select_n3A_41 : vector<1024x1xf32> to vector<1024x5000xf32>
    %le3A_45 = arith.cmpf ole, %add3A_16, %le3A : vector<1024x5000xf32>
    %jit3A = arith.constant 5.000000e+03 : f32
    %broadcast_in_dim3A_46 = vector.shape_cast %get3A_44 : vector<1x5000xf32> to vector<1x5000xf32>
    %broadcast_in_dim3A_47 = vector.broadcast %broadcast_in_dim3A_46 : vector<1x5000xf32> to vector<1024x5000xf32>
    %broadcast_in_dim3A_48 = vector.broadcast %jit3A : f32 to vector<1024x5000xf32>
    %select_n3A_49 = arith.select %le3A_45, %broadcast_in_dim3A_47, %broadcast_in_dim3A_48 : vector<1024x5000xi1>, vector<1024x5000xf32>
    %reduce_min3A_50 = arith.constant dense<0x7F800000> : vector<1024xf32>
    %reduce_min3A_51 = vector.multi_reduction <minimumf>, %select_n3A_49, %reduce_min3A_50 [1] : vector<1024x5000xf32> to vector<1024xf32>
    %broadcast_in_dim3A_52 = vector.shape_cast %reduce_min3A_51 : vector<1024xf32> to vector<1024x1xf32>
    %mul3A_53 = arith.constant 5000 : i32
    %mul3A_54 = arith.muli %arg0, %mul3A_53 : i32
    %convert_element_type3A = arith.sitofp %mul3A_54 : i32 to f32
    %add3A_55 = vector.broadcast %convert_element_type3A : f32 to vector<1024x1xf32>
    %add3A_56 = arith.addf %broadcast_in_dim3A_52, %add3A_55 : vector<1024x1xf32>
    %eq3A_57 = arith.constant 0 : i32
    %eq3A_58 = arith.cmpi eq, %arg0, %eq3A_57 : i32
    %convert_element_type3A_59 = arith.extui %eq3A_58 : i1 to i32
    %cond3A = arith.constant 0 : i32
    %cond3A_60 = arith.cmpi ne, %convert_element_type3A_59, %cond3A : i32
    scf.if %cond3A_60 {
      %swap3A_70 = arith.constant 0 : index
      %swap3A_71 = arith.constant 0 : index
      %swap3A_72 = vector.load %arg7[%swap3A_70, %swap3A_71] : memref<1024x1xf32, #tpu.memory_space<vmem>>, vector<1024x1xf32>
      tpu.vector_store %arg7[%swap3A_70, %swap3A_71], %sqrt3A {strides = array<i32>} : memref<1024x1xf32, #tpu.memory_space<vmem>>, vector<1024x1xf32>,
      %swap3A_73 = arith.constant 0 : index
      %swap3A_74 = arith.constant 0 : index
      %swap3A_75 = vector.load %arg8[%swap3A_73, %swap3A_74] : memref<1024x1xf32, #tpu.memory_space<vmem>>, vector<1024x1xf32>
      tpu.vector_store %arg8[%swap3A_73, %swap3A_74], %add3A_56 {strides = array<i32>} : memref<1024x1xf32, #tpu.memory_space<vmem>>, vector<1024x1xf32>,
    } else {
    }
    %gt3A = arith.constant 0 : i32
    %gt3A_61 = arith.cmpi sgt, %arg0, %gt3A : i32
    %convert_element_type3A_62 = arith.extui %gt3A_61 : i1 to i32
    %cond3A_63 = arith.constant 0 : i32
    %cond3A_64 = arith.cmpi ne, %convert_element_type3A_62, %cond3A_63 : i32
    scf.if %cond3A_64 {
      %get3A_70 = arith.constant 0 : index
      %get3A_71 = arith.constant 0 : index
      %get3A_72 = vector.load %arg7[%get3A_70, %get3A_71] : memref<1024x1xf32, #tpu.memory_space<vmem>>, vector<1024x1xf32>
      %lt3A = arith.cmpf olt, %sqrt3A, %get3A_72 : vector<1024x1xf32>
      %get3A_73 = arith.constant 0 : index
      %get3A_74 = arith.constant 0 : index
      %get3A_75 = vector.load %arg7[%get3A_73, %get3A_74] : memref<1024x1xf32, #tpu.memory_space<vmem>>, vector<1024x1xf32>
      %select_n3A_76 = arith.select %lt3A, %sqrt3A, %get3A_75 : vector<1024x1xi1>, vector<1024x1xf32>
      %swap3A_77 = arith.constant 0 : index
      %swap3A_78 = arith.constant 0 : index
      %swap3A_79 = vector.load %arg7[%swap3A_77, %swap3A_78] : memref<1024x1xf32, #tpu.memory_space<vmem>>, vector<1024x1xf32>
      tpu.vector_store %arg7[%swap3A_77, %swap3A_78], %select_n3A_76 {strides = array<i32>} : memref<1024x1xf32, #tpu.memory_space<vmem>>, vector<1024x1xf32>,
      %get3A_80 = arith.constant 0 : index
      %get3A_81 = arith.constant 0 : index
      %get3A_82 = vector.load %arg8[%get3A_80, %get3A_81] : memref<1024x1xf32, #tpu.memory_space<vmem>>, vector<1024x1xf32>
      %select_n3A_83 = arith.select %lt3A, %add3A_56, %get3A_82 : vector<1024x1xi1>, vector<1024x1xf32>
      %swap3A_84 = arith.constant 0 : index
      %swap3A_85 = arith.constant 0 : index
      %swap3A_86 = vector.load %arg8[%swap3A_84, %swap3A_85] : memref<1024x1xf32, #tpu.memory_space<vmem>>, vector<1024x1xf32>
      tpu.vector_store %arg8[%swap3A_84, %swap3A_85], %select_n3A_83 {strides = array<i32>} : memref<1024x1xf32, #tpu.memory_space<vmem>>, vector<1024x1xf32>,
    } else {
    }
    %eq3A_65 = arith.constant 19 : i32
    %eq3A_66 = arith.cmpi eq, %arg0, %eq3A_65 : i32
    %convert_element_type3A_67 = arith.extui %eq3A_66 : i1 to i32
    %cond3A_68 = arith.constant 0 : i32
    %cond3A_69 = arith.cmpi ne, %convert_element_type3A_67, %cond3A_68 : i32
    scf.if %cond3A_69 {
      %get3A_70 = arith.constant 0 : index
      %get3A_71 = arith.constant 0 : index
      %get3A_72 = vector.load %arg8[%get3A_70, %get3A_71] : memref<1024x1xf32, #tpu.memory_space<vmem>>, vector<1024x1xf32>
      %convert_element_type3A_73 = arith.fptosi %get3A_72 : vector<1024x1xf32> to vector<1024x1xi32>
      %swap3A_74 = arith.constant 0 : index
      %swap3A_75 = arith.constant 0 : index
      %swap3A_76 = vector.load %arg5[%swap3A_74, %swap3A_75] : memref<1024x1xi32, #tpu.memory_space<vmem>>, vector<1024x1xi32>
      tpu.vector_store %arg5[%swap3A_74, %swap3A_75], %convert_element_type3A_73 {strides = array<i32>} : memref<1024x1xi32, #tpu.memory_space<vmem>>, vector<1024x1xi32>,
    } else {
    }
    return
  }
  func.func @transform_0(%arg0: i32) -> (i32, i32) {
    %c0_i32 = arith.constant 0 : i32
    %c0_i32_0 = arith.constant 0 : i32
    %c0_i32_1 = arith.constant 0 : i32
    return %c0_i32, %c0_i32_0 : i32, i32
  }
  func.func @transform_1(%arg0: i32) -> (i32, i32) {
    %c0_i32 = arith.constant 0 : i32
    %c0_i32_0 = arith.constant 0 : i32
    %c0_i32_1 = arith.constant 0 : i32
    return %c0_i32, %c0_i32_0 : i32, i32
  }
  func.func @transform_2(%arg0: i32) -> (i32, i32) {
    %c0_i32 = arith.constant 0 : i32
    %c0_i32_0 = arith.constant 0 : i32
    return %arg0, %c0_i32 : i32, i32
  }
  func.func @transform_3(%arg0: i32) -> (i32, i32) {
    %c0_i32 = arith.constant 0 : i32
    %c0_i32_0 = arith.constant 0 : i32
    %c0_i32_1 = arith.constant 0 : i32
    return %c0_i32, %c0_i32_0 : i32, i32
  }
  func.func @transform_4(%arg0: i32) -> (i32, i32) {
    %c0_i32 = arith.constant 0 : i32
    %c0_i32_0 = arith.constant 0 : i32
    %c0_i32_1 = arith.constant 0 : i32
    return %c0_i32, %c0_i32_0 : i32, i32
  }
  func.func @transform_5(%arg0: i32) -> (i32, i32) {
    %c0_i32 = arith.constant 0 : i32
    %c0_i32_0 = arith.constant 0 : i32
    return %arg0, %c0_i32 : i32, i32
  }
}

</mosaic_0001>

<sc_bundles>
// kernel: kernel.4.cloned.1.call-start
scs
__scs_entry_jumppad:
0x0: {  	(pc) =	sbr.rel $0x88, $3  }
0x1: {  	(tag) =	ssettag $0x0;
	lr =	simm.s32 $0x1  }
0x2: {  	[smem:$0x3F9F] =	sst lr;
	_ =	strace $0xD0000000  }
0x3: {  	_ = 	snop  }
0x4: {  	_ = 	snop  }
0x5: {  	_ = 	snop  }
0x6: {  	_ = 	snop  }
0x7: {  	_ = 	snop  }
__scs_overlays_trampoline_lowered:
0x8: {  	[smem:$0x3FAE] =	sst s0  }
0x9: {  	[smem:$0x3FAF] =	sst s1  }
0xa: {  	[smem:$0x3FB0] =	sst s2  }
0xb: {  	[smem:$0x3FB1] =	sst s3  }
0xc: {  	[smem:$0x3FB2] =	sst s4  }
0xd: {  	[smem:$0x3FB3] =	sst s5  }
0xe: {  	[smem:$0x3FB4] =	sst s6  }
0xf: {  	[smem:$0x3FB5] =	sst s7  }
0x10: {  	[smem:$0x3FB6] =	sst s8  }
0x11: {  	[smem:$0x3FB7] =	sst s9;
	s0 =	simm.s32 @!p0 $0x0  }
0x12: {  	s1 =	sld [smem:$0x3F9D];
	s0 =	simm.s32 @p0 $0x1  }
0x13: {  	[smem:$0x3FB8] =	sst s0;
	s0 =	simm.s32 @!p1 $0x0  }
0x14: {  	s2 =	sld [smem:$0x3F9C];
	s0 =	simm.s32 @p1 $0x1  }
0x15: {  	[smem:$0x3FB9] =	sst s0;
	s0 =	simm.s32 @!p2 $0x0  }
0x16: {  	s3 =	sld [smem:$0x3FDB];
	s0 =	simm.s32 @p2 $0x1  }
0x17: {  	s4 =	simm.s32 $0x1BF5;
	[smem:$0x3FBB] =	sst s0  }
0x18: {  	s0 =	sld [smem:$0x3F9E];
	_ =	swait.ge [sflag:s4], $0x0  }
0x19: {  	s7 =	sld [smem:$0x3F9F]  }
0x1a: {  	s8 =	sadd.s32 $0xFFFFE003, lr  }
0x1b: {  	s9 =	sadd.s32 $0xFFFFFEF7, lr;
	s5 =	simm.s32 $0xFFFFFFFF;
	p2 =	slt.u32 s8, $0xFFFFF086  }
0x1c: {  	p1 =	slt.u32 s9, $0xF7A;
	s5 =	simm.s32 @!p2 $0x0  }
0x1d: {  	s5 =	simm.s32 @p1 $0x1;
	p0 =	seq.s32 s7, s2  }
0x1e: {  	s7 =	smul.u32 @!p0 $0xF7A, s2;
	p2 =	seq.s32 @!p0 s5, $0x0  }
0x1f: {  	s9 =	smul.u32 $0xF7A, s1;
	s8 =	simm.s32 @!p0 $0x1BF5;
	p2 =	por !p2, p0  }
0x20: {  	[sflag:s8] =	ssyncset.s32 @!p0 $0xFFFFF086;
	s6 =	sadd.s32 @!p0 s3, s7;
	s7 =	simm.s32 @!p0 $0x108  }
0x21: {  	s3 =	sadd.s32 s3, s9;
	s6 =	sadd.s32 @!p0 $0x88, s6;
	s7 =	simm.s32 @p2 $0x1082  }
0x22: {  	[simem:s7], [sflag:s8] =	dma.local @!p0 [hbm:s6], $0xF7A  }
0x23: {  	s9 =	sor.u32 $0xD0000000, s2;
	s6 =	simm.s32 $0x108;
	_ =	swait.ge @!p0 [sflag:s8], $0x0  }
0x24: {  	s3 =	sadd.s32 $0x88, s3;
	s6 =	simm.s32 @!p1 $0x1082;
	[sflag:s4] =	ssyncset.s32 $0xFFFFF086  }
0x25: {  	[simem:s6], [sflag:s4] =	dma.local [hbm:s3], $0xF7A  }
0x26: {  	[smem:$0x3F9F] =	sst s1;
	(tag) =	ssettag s2;
	_ =	strace s9  }
0x27: {  	s1 =	sld [smem:$0x3FAF]  }
0x28: {  	s2 =	sld [smem:$0x3FB0]  }
0x29: {  	s4 =	sld [smem:$0x3FB2]  }
0x2a: {  	p0 =	seq.s32 s5, $0x0;
	s5 =	sld [smem:$0x3FB3]  }
0x2b: {  	s6 =	sld [smem:$0x3FB4]  }
0x2c: {  	s7 =	sld [smem:$0x3FB5]  }
0x2d: {  	s3 =	simm.s32 $0x108;
	s8 =	sld [smem:$0x3FB6]  }
0x2e: {  	s3 =	simm.s32 @!p0 $0x1082;
	s9 =	sld [smem:$0x3FB7]  }
0x2f: {  	lr =	sadd.s32 s0, s3;
	s0 =	sld [smem:$0x3FAE]  }
0x30: {  	s3 =	sld [smem:$0x3FB1]  }
0x31: {  	[smem:$0x3FBA] =	sst s10  }
0x32: {  	s10 =	sld [smem:$0x3FB8];
	_ =	sdelay $0x3  }
0x33: {  	p0 =	seq.s32 s10, $0x1;
	s10 =	sld [smem:$0x3FBA];
	_ =	sdelay $0x3  }
0x34: {  	[smem:$0x3FBA] =	sst s10  }
0x35: {  	s10 =	sld [smem:$0x3FB9];
	_ =	sdelay $0x3  }
0x36: {  	p1 =	seq.s32 s10, $0x1;
	s10 =	sld [smem:$0x3FBA];
	_ =	sdelay $0x3  }
0x37: {  	[smem:$0x3FBA] =	sst s10  }
0x38: {  	s10 =	sld [smem:$0x3FBB]  }
0x39: {  	_ = 	snop;
	(pc) =	sbr.ind lr, $3  }
0x3a: {  	_ = 	snop  }
0x3b: {  	_ = 	snop  }
0x3c: {  	p2 =	seq.s32 s10, $0x1;
	s10 =	sld [smem:$0x3FBA]  }
0x3d: {  	_ =	shalt  }
0x3e: {  	_ =	shalt  }
0x3f: {  	_ =	shalt  }
0x40: {  	_ =	shalt  }
0x41: {  	_ =	shalt  }
0x42: {  	_ =	shalt  }
0x43: {  	_ =	shalt  }
0x44: {  	_ =	shalt  }
0x45: {  	_ =	shalt  }
0x46: {  	_ =	shalt  }
0x47: {  	_ =	shalt  }
0x48: {  	_ =	shalt  }
0x49: {  	_ =	shalt  }
0x4a: {  	_ =	shalt  }
0x4b: {  	_ =	shalt  }
0x4c: {  	_ =	shalt  }
0x4d: {  	_ =	shalt  }
0x4e: {  	_ =	shalt  }
0x4f: {  	_ =	shalt  }
0x50: {  	_ =	shalt  }
0x51: {  	_ =	shalt  }
0x52: {  	_ =	shalt  }
0x53: {  	_ =	shalt  }
0x54: {  	_ =	shalt  }
0x55: {  	_ =	shalt  }
0x56: {  	_ =	shalt  }
0x57: {  	_ =	shalt  }
0x58: {  	_ =	shalt  }
0x59: {  	_ =	shalt  }
0x5a: {  	_ =	shalt  }
0x5b: {  	_ =	shalt  }
0x5c: {  	_ =	shalt  }
0x5d: {  	_ =	shalt  }
0x5e: {  	_ =	shalt  }
0x5f: {  	_ =	shalt  }
0x60: {  	_ =	shalt  }
0x61: {  	_ =	shalt  }
0x62: {  	_ =	shalt  }
0x63: {  	_ =	shalt  }
0x64: {  	_ =	shalt  }
0x65: {  	_ =	shalt  }
0x66: {  	_ =	shalt  }
0x67: {  	_ =	shalt  }
0x68: {  	_ =	shalt  }
0x69: {  	_ =	shalt  }
0x6a: {  	_ =	shalt  }
0x6b: {  	_ =	shalt  }
0x6c: {  	_ =	shalt  }
0x6d: {  	_ =	shalt  }
0x6e: {  	_ =	shalt  }
0x6f: {  	_ =	shalt  }
0x70: {  	_ =	shalt  }
0x71: {  	_ =	shalt  }
0x72: {  	_ =	shalt  }
0x73: {  	_ =	shalt  }
0x74: {  	_ =	shalt  }
0x75: {  	_ =	shalt  }
0x76: {  	_ =	shalt  }
0x77: {  	_ =	shalt  }
0x78: {  	_ =	shalt  }
0x79: {  	_ =	shalt  }
0x7a: {  	_ =	shalt  }
0x7b: {  	_ =	shalt  }
0x7c: {  	_ =	shalt  }
0x7d: {  	_ =	shalt  }
0x7e: {  	_ =	shalt  }
0x7f: {  	_ =	shalt  }
0x80: {  	_ =	shalt  }
0x81: {  	_ =	shalt  }
0x82: {  	_ =	shalt  }
0x83: {  	_ =	shalt  }
0x84: {  	_ =	shalt  }
0x85: {  	_ =	shalt  }
0x86: {  	_ =	shalt  }
0x87: {  	_ =	shalt  }
.Lfunc_end0:
.L_simem_size_0:
called_computation_lowered:
.L_overlay_start_0:
0x88: {  	s2 =	sld [smem:$0x3FD9]  }
0x89: {  	s3 =	sld [smem:$0x3FFE];
	_ =	sdelay $0x1  }
0x8a: {  	s1 =	srdreg.scid  }
0x8b: {  	s0 =	sand.u32 $0x1, s1  }
0x8c: {  	s17 =	sshll.u32 s0, $0xA;
	s2 =	sadd.s32 s3, s2  }
0x8d: {  	s2 =	sadd.s32 s2, s17  }
0x8e: {  	[smem:$0x3FC6] =	sst s2  }
0x8f: {  	_ = 	snop  }
0x90: {  	s2 =	sld [smem:$0x3FD0];
	(tm) =	ssettm $0x1  }
0x91: {  	s18 =	sld [smem:$0x3FFB];
	_ =	sdelay $0x3  }
0x92: {  	_ =	strace s18  }
0x93: {  	s3 =	sld [smem:$0x3FFC];
	_ =	sdelay $0x3  }
0x94: {  	_ =	strace s3  }
0x95: {  	s3 =	sld [smem:$0x3FFD];
	_ =	sdelay $0x3  }
0x96: {  	_ =	strace s3  }
0x97: {  	_ =	strace $0x8FFFFFFF  }
0x98: {  	s19 =	sld [smem:$0x3FDB];
	_ =	sdelay $0x1  }
0x99: {  	s4 =	simm.s32 $_scs_section_size  }
0x9a: {  	s5 =	simm.s32 $_size__tile_overlayer_lowered;
	s6 =	simm.s32 $_tile_overlayer_lowered  }
0x9b: {  	s22 =	simm.s32 $0x1BFF;
	s21 =	sshll.u32 s6, $0x1;
	s3 =	sadd.s32 s4, s19  }
0x9c: {  	s7 =	simm.s32 $0x0;
	s20 =	sshll.u32 s5, $0x1;
	s5 =	sadd.s32 s21, s3  }
0x9d: {  	[timem:s7], [sflag:s22] =	dma.local [hbm:s5], s20  }
0x9e: {  	_ =	swait.ge [sflag:s22], s20  }
0x9f: {  	s4 =	ssub.s32 $0x0, s20;
	[sflag:s22] =	ssyncset.done $0x0  }
0xa0: {  	[sflag:s22] =	ssyncadd.s32 s4;
	_ =	sdelay $0x1  }
0xa1: {  	s23 =	simm.s32 $0x1B8B  }
0xa2: {  	_ =	swait.ge [sflag:s23], $0x1  }
0xa3: {  	[sflag:s23] =	ssyncset.done $0x0  }
0xa4: {  	s25 =	simm.s32 $0x1B8E;
	s24 =	sld [smem:$0x3FFE];
	[sflag:s23] =	ssyncadd.s32 $0xFFFFFFFF  }
0xa5: {  	s26 =	simm.s32 $execute0_lowered;
	[smem:$0x3FD2] =	sst s25  }
0xa6: {  	s5 =	sshll.u32 s26, $0x1;
	_ =	strace $0x80000046;
	[dreg:$0x1] =	wrdreg $0xFFFFFFFF  }
0xa7: {  	s28 =	simm.s32 $_size_execute0_lowered;
	s3 =	sadd.s32 s3, s5;
	[dreg:$0x0] =	wrdreg $0x0  }
0xa8: {  	s5 =	sshll.u32 s28, $0x1;
	[dreg:$0x2] =	wrdreg s3  }
0xa9: {  	[dreg:$0x3] =	wrdreg s5  }
0xaa: {  	[dreg:$0x4] =	wrdreg $0xC0  }
0xab: {  	_ =	task [dreg:s7], $0x5FFFF  }
0xac: {  	[dreg:$0x1] =	wrdreg $0xFFFFFFFF  }
0xad: {  	[dreg:$0x0] =	wrdreg $0x60  }
0xae: {  	[dreg:$0x2] =	wrdreg s24  }
0xaf: {  	[dreg:$0x3] =	wrdreg s2  }
0xb0: {  	[dreg:$0x4] =	wrdreg $0x9  }
0xb1: {  	_ =	task.clear_ibuf [dreg:s7], $0x5FFFF;
	_ =	strace $0x90000046  }
0xb2: {  	s29 =	simm.s32 $0x9;
	_ =	strace $0x80000048  }
0xb3: {  	_ =	swait.ge [sflag:s29], $0x1  }
0xb4: {  	[sflag:s29] =	ssyncadd.s32 $0xFFFFFFFF  }
0xb5: {  	_ =	strace $0x90000048  }
0xb6: {  	_ =	sfence  }
0xb7: {  	s30 =	sld [smem:$0x0];
	_ =	sdelay $0x2  }
0xb8: {  	s31 =	sshll.u32 s1, $0xD;
	s1 =	sshrl.u32 s1, $0x2  }
0xb9: {  	s3 =	sand.u32 $0x4000, s31;
	s1 =	sadd.s32 s1, s30  }
0xba: {  	s0 =	sor.u32 s3, s0;
	s1 =	sshll.u32 s1, $0x11  }
0xbb: {  	s0 =	sor.u32 s1, s0  }
0xbc: {  	s0 =	sadd.s32 $0x8F2B, s0  }
0xbd: {  	[sflag:s0] =	ssyncadd.remote.s32 $0x1  }
0xbe: {  	_ =	sfence.sel $0xFFFF  }
0xbf: {  	[dreg:$0x0] =	wrdreg $0xFFFFFFFF;
	(pc) =	sbr.abs _section_cstart, $3  }
0xc0: {  	[dreg:$0x1] =	wrdreg $0xFFFFFFFF  }
0xc1: {  	_ =	task.clear_ibuf [dreg:s7], $0x2FFFF;
	_ =	strace $0x9FFFFFFF  }
0xc2: {  	(tm) =	ssettm $0x7FFFFFFF  }
0xc3: {  	_ =	shalt  }
tec
execute0_lowered:
.L_overlay_start_1:
0x0: {  	(tag) =	ssettag $0x1  }
0x1: {  	s1 =	srdreg.scid;
	s9 =	rddreg [dreg:$0x0]  }
0x2: {  	s0 =	stileid.u32;
	s3 =	rddreg [dreg:$0x1];
	s6 =	sand.u32 $0x1, s1  }
0x3: {  	s2 =	simm.s32 $0x0;
	s4 =	sshll.u32 s0, $0x6;
	s5 =	sshll.u32 s6, $0x5  }
0x4: {  	s7 =	simm.s32 $0x80;
	[smem:$0x7FF] =	sst s2;
	s10 =	sor.u32 s5, s4  }
0x5: {  	s1 =	rddreg [dreg:$0x2];
	_ =	strace $0x80000047;
	s4 =	sshrl.u32 s10, $0x3  }
0x6: {  	s11 =	ssub.s32 $0x2, s6;
	s4 =	sadd.s32 s3, s4;
	s3 =	simm.s32 $0x2  }
0x7: {  	[tilespmem:s2], [sflag:$0x2] =	stream.linear.gather [hbm4b:s4+s2], $0x20, $0x38;
	[tilespmem:$0x1080] =	vst v63  }
0x8: {  	s8 =	simm.s32 $0x1;
	s12 =	sshrl.u32 s11, $0x1;
	_ =	swait.ge [sflag:s3], $0x20  }
0x9: {  	s6 =	simm.s32 $0x20;
	s11 =	ssub.s32 s11, s12;
	[sflag:s3] =	ssyncset.done $0x0  }
0xa: {  	s5 =	sadd.s32 $0x192A00, s9;
	s31 =	smax.u32 s11, $0x1;
	[sflag:s3] =	ssyncadd.s32 $0xFFFFFFE0  }
0xb: {  	[tilespmem:s7], [sflag:$0x1] =	stream.indirect.gather [hbm4b:s5+s6], $0x80, s2, s6, $0xb8;
	[tilespmem:$0x1080] =	vst v63  }
0xc: {  	p0 =	sne.s32 s31, $0x1;
	_ =	swait.ge [sflag:s8], $0x1000  }
.Ltmp0:
0xd: {  	s10 =	sshll.u32 s10, $0x4;
	[sflag:s8] =	ssyncset.done $0x0;
	(pc) =	sbr.rel @!p0 .LBB2_2-.Ltmp0, $4  }
0xe: {  	s9 =	sadd.s32 s9, s10;
	[sflag:s8] =	ssyncadd.s32 $0xFFFFF000  }
0xf: {  	[hbm4b:s9+s2] =	stream.linear.scatter [tilespmem:s7], [sflag:$0x2], $0x1000, $0x38;
	[tilespmem:$0x1080] =	vst v63  }
0x10: {  	_ =	swait.ge [sflag:s3], $0x1000  }
0x11: {  	s10 =	sadd.s32 $0xFFFFFFFF, s31;
	[sflag:s3] =	ssyncset.done $0x0  }
.LBB2_1:
0x12: {  	p0 =	sne.s32 s10, $0x1;
	s10 =	sadd.s32 $0xFFFFFFFF, s10;
	[sflag:s3] =	ssyncadd.s32 $0xFFFFF000  }
0x13: {  	[tilespmem:s2], [sflag:$0x2] =	stream.linear.gather [hbm4b:s4+s2], $0x20, $0x38;
	[tilespmem:$0x1080] =	vst v63  }
0x14: {  	_ =	swait.ge [sflag:s3], $0x20  }
0x15: {  	[sflag:s3] =	ssyncset.done $0x0  }
0x16: {  	[sflag:s3] =	ssyncadd.s32 $0xFFFFFFE0  }
0x17: {  	[tilespmem:s7], [sflag:$0x1] =	stream.indirect.gather [hbm4b:s5+s6], $0x80, s2, s6, $0xb8;
	[tilespmem:$0x1080] =	vst v63  }
0x18: {  	_ =	swait.ge [sflag:s8], $0x1000  }
.Ltmp1:
0x19: {  	[sflag:s8] =	ssyncset.done $0x0;
	(pc) =	sbr.rel @p0 .LBB2_1-.Ltmp1, $4  }
0x1a: {  	[sflag:s8] =	ssyncadd.s32 $0xFFFFF000  }
0x1b: {  	[hbm4b:s9+s2] =	stream.linear.scatter [tilespmem:s7], [sflag:$0x2], $0x1000, $0x38;
	[tilespmem:$0x1080] =	vst v63  }
0x1c: {  	_ =	swait.ge [sflag:s3], $0x1000  }
0x1d: {  	[sflag:s3] =	ssyncset.done $0x0  }
.LBB2_2:
0x1e: {  	[sflag:s3] =	ssyncadd.s32 $0xFFFFF000  }
0x1f: {  	_ =	sfence.sel $0x180000  }
0x20: {  	[bflag:$0x0] =	sbarrier.arrive $0xFFFF  }
0x21: {  	p0 =	sne.s32 s0, $0x0;
	_ =	strace $0x90000047  }
0x22: {  	s0 =	sadd.s32 @!p0 $0x100000, s1;
	[bflag:$0x2] =	sbarrier.arrive $0xFFFF  }
0x23: {  	[sflag:s0] =	ssyncadd.tile.s32 @!p0 $0x1;
	_ =	shalt  }
.Lfunc_end2:
_tile_overlayer_lowered:
.L_overlay_start_2:
0x24: {  	(tag) =	ssettag $0x2  }
0x25: {  	s0 =	rddreg [dreg:$0x0];
	s2 =	stileid.u32  }
0x26: {  	s1 =	rddreg [dreg:$0x1];
	p0 =	sne.s32 s2, $0x0  }
0x27: {  	s3 =	rddreg [dreg:$0x2];
	[bflag:$0x3] =	sbarrier.arrive $0xFFFF;
	s2 =	simm.s32 @!p0 $0x1C02  }
0x28: {  	[timem:s3], [sflag:s2] =	dma.local @!p0 [hbm:s0], s1  }
0x29: {  	s0 =	simm.s32 @!p0 $0x2  }
0x2a: {  	_ =	swait.ge @!p0 [sflag:s0], s1  }
0x2b: {  	s1 =	ssub.s32 @!p0 $0x0, s1;
	[sflag:s0] =	ssyncset.done @!p0 $0x0  }
0x2c: {  	[sflag:s0] =	ssyncadd.s32 @!p0 s1  }
0x2d: {  	[bflag:$0x3] =	sbarrier.arrive $0xFFFF  }
0x2e: {  	_ =	shalt  }

</sc_bundles>
